<compile_context>
chip_gen: v7x
topology: tpu7x:2x2x1
jax: 0.10.2.dev20260603
libtpu: 0.0.44.dev20260713+nightly
codegen_flags: <defaults>
</compile_context>

<pallas_src>
import dataclasses

import jax
import jax.numpy as jnp
from jax import lax
from jax.experimental import pallas as pl
from jax.experimental.pallas import tpu as pltpu
from jax.experimental.pallas import tpu_sc as plsc

_SAMPLES_PER_STEP = 4
_LANES = 16
_SPLIT = 32


def _sc_gather_body(ts_hbm, tabs_hbm, ab_hbm, ts_v, tabs_v, ab_v, sem0, sem1):
    cid = lax.axis_index("c")
    sid = lax.axis_index("s")
    B = ts_v.shape[0]

    @pl.when(jnp.logical_and(cid == 0, sid == 0))
    def _():
        cp0 = pltpu.async_copy(ts_hbm, ts_v, sem0)
        cp1 = pltpu.async_copy(tabs_hbm, tabs_v, sem1)
        cp0.wait()
        cp1.wait()
        n_steps = tabs_v.shape[0] // 2
        for k in range(B // _LANES):
            sl = pl.ds(k * _LANES, _LANES)
            idx = ts_v[sl]
            ab_v[sl] = plsc.load_gather(tabs_v, [idx])
            ab_v[pl.ds(B + k * _LANES, _LANES)] = plsc.load_gather(
                tabs_v, [idx + n_steps])
        pltpu.sync_copy(ab_v, ab_hbm)


def _sc_gather(ts, sab, somab):
    B = ts.shape[0]
    n_steps = sab.shape[0]
    tabs = jnp.concatenate([sab, somab])
    mesh = plsc.VectorSubcoreMesh(core_axis_name="c", subcore_axis_name="s")
    cp = pltpu.CompilerParams()
    if "needs_layout_passes" in pltpu.CompilerParams.__dataclass_fields__:
        cp = dataclasses.replace(cp, needs_layout_passes=False)
    gather = pl.kernel(
        _sc_gather_body,
        out_type=jax.ShapeDtypeStruct((2 * B,), jnp.float32),
        mesh=mesh,
        scratch_types=[
            pltpu.VMEM((B,), jnp.int32),
            pltpu.VMEM((2 * n_steps,), jnp.float32),
            pltpu.VMEM((2 * B,), jnp.float32),
            pltpu.SemaphoreType.DMA,
            pltpu.SemaphoreType.DMA,
        ],
        compiler_params=cp,
    )
    return gather(ts, tabs)


def _tc1_body(ts_ref, sab_ref, somab_ref, x_ref, n_ref, o_ref):
    i = pl.program_id(0)
    for j in range(_SAMPLES_PER_STEP):
        t = ts_ref[i * _SAMPLES_PER_STEP + j]
        a = sab_ref[t]
        b = somab_ref[t]
        o_ref[j] = a * x_ref[j] + b * n_ref[j]


def _tc2_body(ab_ref, x_ref, n_ref, prev_ref, o_ref):
    i = pl.program_id(0)
    B = ab_ref.shape[0] // 2
    for j in range(_SAMPLES_PER_STEP):
        s = _SPLIT + i * _SAMPLES_PER_STEP + j
        a = ab_ref[s]
        b = ab_ref[B + s]
        o_ref[j] = a * x_ref[j] + b * n_ref[j]


def kernel(x0, noise, time_steps, sqrt_alpha_bars, sqrt_one_minus_alpha_bars):
    B, C, H, W = x0.shape
    ts = time_steps.astype(jnp.int32)
    blk = (_SAMPLES_PER_STEP, C, H, W)
    ab = _sc_gather(ts, sqrt_alpha_bars, sqrt_one_minus_alpha_bars)
    out1 = pl.pallas_call(
        _tc1_body,
        grid=(_SPLIT // _SAMPLES_PER_STEP,),
        in_specs=[
            pl.BlockSpec(memory_space=pltpu.SMEM),
            pl.BlockSpec(memory_space=pltpu.SMEM),
            pl.BlockSpec(memory_space=pltpu.SMEM),
            pl.BlockSpec(blk, lambda i: (i, 0, 0, 0)),
            pl.BlockSpec(blk, lambda i: (i, 0, 0, 0)),
        ],
        out_specs=pl.BlockSpec(blk, lambda i: (i, 0, 0, 0)),
        out_shape=jax.ShapeDtypeStruct((B, C, H, W), x0.dtype),
    )(ts, sqrt_alpha_bars, sqrt_one_minus_alpha_bars, x0, noise)
    off = _SPLIT // _SAMPLES_PER_STEP
    out = pl.pallas_call(
        _tc2_body,
        grid=((B - _SPLIT) // _SAMPLES_PER_STEP,),
        in_specs=[
            pl.BlockSpec(memory_space=pltpu.SMEM),
            pl.BlockSpec(blk, lambda i: (i + off, 0, 0, 0)),
            pl.BlockSpec(blk, lambda i: (i + off, 0, 0, 0)),
            pl.BlockSpec(memory_space=pl.ANY),
        ],
        out_specs=pl.BlockSpec(blk, lambda i: (i + off, 0, 0, 0)),
        out_shape=jax.ShapeDtypeStruct((B, C, H, W), x0.dtype),
        input_output_aliases={3: 0},
    )(ab, x0, noise, out1)
    return out

# --- scband reference (transcript-rebuilt; emitter-appended) ---
"""Pipeline reference for scband-forward-ddpm-78443282694600 (READ-ONLY COPY).

The authoritative reference and input builder live on the scoring server;
editing this copy changes nothing except your own understanding.
"""

import jax, jax.numpy as jnp
import numpy as np

NUM_STEPS = 1000
BETA_START = 1e-4
BETA_END = 0.02

def _make_schedule():
    betas = jnp.linspace(BETA_START, BETA_END, NUM_STEPS, dtype=jnp.float32)
    alphas = 1.0 - betas
    alpha_bars = jnp.cumprod(alphas)
    sqrt_alpha_bars = jnp.sqrt(alpha_bars)
    sqrt_one_minus_alpha_bars = jnp.sqrt(1.0 - alpha_bars)
    return sqrt_alpha_bars, sqrt_one_minus_alpha_bars

def setup_inputs(seed: int = 0) -> dict:
    key = jax.random.key(seed)
    k1, k2, k3 = jax.random.split(key, 3)
    x0 = jax.random.normal(k1, (64, 3, 256, 256), dtype=jnp.float32)
    noise = jax.random.normal(k2, (64, 3, 256, 256), dtype=jnp.float32)
    time_steps = jax.random.randint(k3, (64,), 0, NUM_STEPS, dtype=jnp.int64 if jax.config.jax_enable_x64 else jnp.int32)
    sqrt_alpha_bars, sqrt_one_minus_alpha_bars = _make_schedule()
    return {
        "x0": x0,
        "noise": noise,
        "time_steps": time_steps,
        "sqrt_alpha_bars": sqrt_alpha_bars,
        "sqrt_one_minus_alpha_bars": sqrt_one_minus_alpha_bars,
    }

def reference(x0, noise, time_steps, sqrt_alpha_bars, sqrt_one_minus_alpha_bars):
    # gather schedule coefficients per sample (embedding-style lookup)
    sab_t = jnp.take(sqrt_alpha_bars, time_steps, axis=0)
    somab_t = jnp.take(sqrt_one_minus_alpha_bars, time_steps, axis=0)
    sab_t = sab_t.reshape(-1, 1, 1, 1)
    somab_t = somab_t.reshape(-1, 1, 1, 1)
    xt = sab_t * x0 + somab_t * noise
    return xt

if __name__ == "__main__":
    import jax
    _d = setup_inputs()
    print(jax.jit(kernel)(*tuple(_d.values())))

</pallas_src>

<mosaic_0001>
#map = affine_map<(d0, d1) -> (0)>
module attributes {stable_mosaic.version = 14 : i64} {
  func.func @_sc_gather_body(%arg0: i32, %arg1: i32, %arg2: memref<64xi32, #tpu.memory_space<hbm>>, %arg3: memref<2000xf32, #tpu.memory_space<hbm>>, %arg4: memref<128xf32, #tpu.memory_space<hbm>>, %arg5: memref<64xi32, #tpu.memory_space<vmem>>, %arg6: memref<2000xf32, #tpu.memory_space<vmem>>, %arg7: memref<128xf32, #tpu.memory_space<vmem>>, %arg8: memref<!tpu.dma_semaphore, #tpu.memory_space<semaphore_mem>>, %arg9: memref<!tpu.dma_semaphore, #tpu.memory_space<semaphore_mem>>) attributes {dimension_semantics = [#tpu.dimension_semantics<core_parallel>, #tpu.dimension_semantics<subcore_parallel>], iteration_bounds = array<i64: 2, 16>, scalar_prefetch = 0 : i64, scratch_operands = 5 : i64, tpu.core_type = #tpu.core_type<sc_vector_subcore>, window_params = [{transform_indices = #map}, {transform_indices = #map}, {transform_indices = #map}]} {
    %eq3A = arith.constant 0 : i32
    %eq3A_0 = arith.cmpi eq, %arg0, %eq3A : i32
    %eq3A_1 = arith.constant 0 : i32
    %eq3A_2 = arith.cmpi eq, %arg1, %eq3A_1 : i32
    %and3A = arith.andi %eq3A_0, %eq3A_2 : i1
    %convert_element_type3A = arith.extui %and3A : i1 to i32
    %cond3A = arith.constant 0 : i32
    %cond3A_3 = arith.cmpi ne, %convert_element_type3A, %cond3A : i32
    scf.if %cond3A_3 {
      tpu.enqueue_dma source(%arg2 : memref<64xi32, #tpu.memory_space<hbm>>) target(%arg5 : memref<64xi32, #tpu.memory_space<vmem>>) target_semaphore(%arg8 : memref<!tpu.dma_semaphore, #tpu.memory_space<semaphore_mem>>)
      tpu.enqueue_dma source(%arg3 : memref<2000xf32, #tpu.memory_space<hbm>>) target(%arg6 : memref<2000xf32, #tpu.memory_space<vmem>>) target_semaphore(%arg9 : memref<!tpu.dma_semaphore, #tpu.memory_space<semaphore_mem>>)
      tpu.wait_dma2 semaphore(%arg8 : memref<!tpu.dma_semaphore, #tpu.memory_space<semaphore_mem>>) src(%arg2 : memref<64xi32, #tpu.memory_space<hbm>>) dst(%arg5 : memref<64xi32, #tpu.memory_space<vmem>>)
      tpu.wait_dma2 semaphore(%arg9 : memref<!tpu.dma_semaphore, #tpu.memory_space<semaphore_mem>>) src(%arg3 : memref<2000xf32, #tpu.memory_space<hbm>>) dst(%arg6 : memref<2000xf32, #tpu.memory_space<vmem>>)
      %get3A = arith.constant 0 : index
      %get3A_4 = tpu.vector_load %arg5[%get3A] {strides = array<i32>} : memref<64xi32, #tpu.memory_space<vmem>>, vector<16xi32>,
      %gather3A = tpu.vector_load_idx %arg6[%get3A_4] : memref<2000xf32, #tpu.memory_space<vmem>>[vector<16xi32>], vector<16xf32>,
      %swap3A = arith.constant 0 : index
      %swap3A_5 = tpu.vector_load %arg7[%swap3A] {strides = array<i32>} : memref<128xf32, #tpu.memory_space<vmem>>, vector<16xf32>,
      tpu.vector_store %arg7[%swap3A], %gather3A {strides = array<i32>} : memref<128xf32, #tpu.memory_space<vmem>>, vector<16xf32>,
      %add3A = arith.constant 1000 : i32
      %add3A_6 = vector.broadcast %add3A : i32 to vector<16xi32>
      %add3A_7 = arith.addi %get3A_4, %add3A_6 : vector<16xi32>
      %gather3A_8 = tpu.vector_load_idx %arg6[%add3A_7] : memref<2000xf32, #tpu.memory_space<vmem>>[vector<16xi32>], vector<16xf32>,
      %swap3A_9 = arith.constant 64 : index
      %swap3A_10 = tpu.vector_load %arg7[%swap3A_9] {strides = array<i32>} : memref<128xf32, #tpu.memory_space<vmem>>, vector<16xf32>,
      tpu.vector_store %arg7[%swap3A_9], %gather3A_8 {strides = array<i32>} : memref<128xf32, #tpu.memory_space<vmem>>, vector<16xf32>,
      %get3A_11 = arith.constant 16 : index
      %get3A_12 = tpu.vector_load %arg5[%get3A_11] {strides = array<i32>} : memref<64xi32, #tpu.memory_space<vmem>>, vector<16xi32>,
      %gather3A_13 = tpu.vector_load_idx %arg6[%get3A_12] : memref<2000xf32, #tpu.memory_space<vmem>>[vector<16xi32>], vector<16xf32>,
      %swap3A_14 = arith.constant 16 : index
      %swap3A_15 = tpu.vector_load %arg7[%swap3A_14] {strides = array<i32>} : memref<128xf32, #tpu.memory_space<vmem>>, vector<16xf32>,
      tpu.vector_store %arg7[%swap3A_14], %gather3A_13 {strides = array<i32>} : memref<128xf32, #tpu.memory_space<vmem>>, vector<16xf32>,
      %add3A_16 = arith.constant 1000 : i32
      %add3A_17 = vector.broadcast %add3A_16 : i32 to vector<16xi32>
      %add3A_18 = arith.addi %get3A_12, %add3A_17 : vector<16xi32>
      %gather3A_19 = tpu.vector_load_idx %arg6[%add3A_18] : memref<2000xf32, #tpu.memory_space<vmem>>[vector<16xi32>], vector<16xf32>,
      %swap3A_20 = arith.constant 80 : index
      %swap3A_21 = tpu.vector_load %arg7[%swap3A_20] {strides = array<i32>} : memref<128xf32, #tpu.memory_space<vmem>>, vector<16xf32>,
      tpu.vector_store %arg7[%swap3A_20], %gather3A_19 {strides = array<i32>} : memref<128xf32, #tpu.memory_space<vmem>>, vector<16xf32>,
      %get3A_22 = arith.constant 32 : index
      %get3A_23 = tpu.vector_load %arg5[%get3A_22] {strides = array<i32>} : memref<64xi32, #tpu.memory_space<vmem>>, vector<16xi32>,
      %gather3A_24 = tpu.vector_load_idx %arg6[%get3A_23] : memref<2000xf32, #tpu.memory_space<vmem>>[vector<16xi32>], vector<16xf32>,
      %swap3A_25 = arith.constant 32 : index
      %swap3A_26 = tpu.vector_load %arg7[%swap3A_25] {strides = array<i32>} : memref<128xf32, #tpu.memory_space<vmem>>, vector<16xf32>,
      tpu.vector_store %arg7[%swap3A_25], %gather3A_24 {strides = array<i32>} : memref<128xf32, #tpu.memory_space<vmem>>, vector<16xf32>,
      %add3A_27 = arith.constant 1000 : i32
      %add3A_28 = vector.broadcast %add3A_27 : i32 to vector<16xi32>
      %add3A_29 = arith.addi %get3A_23, %add3A_28 : vector<16xi32>
      %gather3A_30 = tpu.vector_load_idx %arg6[%add3A_29] : memref<2000xf32, #tpu.memory_space<vmem>>[vector<16xi32>], vector<16xf32>,
      %swap3A_31 = arith.constant 96 : index
      %swap3A_32 = tpu.vector_load %arg7[%swap3A_31] {strides = array<i32>} : memref<128xf32, #tpu.memory_space<vmem>>, vector<16xf32>,
      tpu.vector_store %arg7[%swap3A_31], %gather3A_30 {strides = array<i32>} : memref<128xf32, #tpu.memory_space<vmem>>, vector<16xf32>,
      %get3A_33 = arith.constant 48 : index
      %get3A_34 = tpu.vector_load %arg5[%get3A_33] {strides = array<i32>} : memref<64xi32, #tpu.memory_space<vmem>>, vector<16xi32>,
      %gather3A_35 = tpu.vector_load_idx %arg6[%get3A_34] : memref<2000xf32, #tpu.memory_space<vmem>>[vector<16xi32>], vector<16xf32>,
      %swap3A_36 = arith.constant 48 : index
      %swap3A_37 = tpu.vector_load %arg7[%swap3A_36] {strides = array<i32>} : memref<128xf32, #tpu.memory_space<vmem>>, vector<16xf32>,
      tpu.vector_store %arg7[%swap3A_36], %gather3A_35 {strides = array<i32>} : memref<128xf32, #tpu.memory_space<vmem>>, vector<16xf32>,
      %add3A_38 = arith.constant 1000 : i32
      %add3A_39 = vector.broadcast %add3A_38 : i32 to vector<16xi32>
      %add3A_40 = arith.addi %get3A_34, %add3A_39 : vector<16xi32>
      %gather3A_41 = tpu.vector_load_idx %arg6[%add3A_40] : memref<2000xf32, #tpu.memory_space<vmem>>[vector<16xi32>], vector<16xf32>,
      %swap3A_42 = arith.constant 112 : index
      %swap3A_43 = tpu.vector_load %arg7[%swap3A_42] {strides = array<i32>} : memref<128xf32, #tpu.memory_space<vmem>>, vector<16xf32>,
      tpu.vector_store %arg7[%swap3A_42], %gather3A_41 {strides = array<i32>} : memref<128xf32, #tpu.memory_space<vmem>>, vector<16xf32>,
      "tpu.region"() ({
        %run_scoped3A = tpu.sem_alloc : memref<!tpu.dma_semaphore, #tpu.memory_space<semaphore_mem>>
        tpu.enqueue_dma source(%arg7 : memref<128xf32, #tpu.memory_space<vmem>>) target(%arg4 : memref<128xf32, #tpu.memory_space<hbm>>) target_semaphore(%run_scoped3A : memref<!tpu.dma_semaphore, #tpu.memory_space<semaphore_mem>>)
        tpu.wait_dma2 semaphore(%run_scoped3A : memref<!tpu.dma_semaphore, #tpu.memory_space<semaphore_mem>>) src(%arg7 : memref<128xf32, #tpu.memory_space<vmem>>) dst(%arg4 : memref<128xf32, #tpu.memory_space<hbm>>)
        tpu.yield
      }) : () -> ()
    } else {
    }
    return
  }
}

module attributes {stable_mosaic.version = 14 : i64} {
  func.func @_tc2_body(%arg0: i32, %arg1: memref<128xf32, #tpu.memory_space<smem>>, %arg2: memref<4x3x256x256xf32, #tpu.memory_space<vmem>>, %arg3: memref<4x3x256x256xf32, #tpu.memory_space<vmem>>, %arg4: memref<64x3x256x256xf32, #tpu.memory_space<any>>, %arg5: memref<4x3x256x256xf32, #tpu.memory_space<vmem>>) attributes {dimension_semantics = [#tpu.dimension_semantics<arbitrary>], iteration_bounds = array<i64: 8>, scalar_prefetch = 0 : i64, scratch_operands = 0 : i64, tpu.core_type = #tpu.core_type<tc>, window_params = [{transform_indices = @transform_0, window_bounds = array<i64: 128>}, {transform_indices = @transform_1, window_bounds = array<i64: 4, 3, 256, 256>}, {transform_indices = @transform_2, window_bounds = array<i64: 4, 3, 256, 256>}, {}, {transform_indices = @transform_4, window_bounds = array<i64: 4, 3, 256, 256>}]} {
    %mul3A = arith.constant 4 : i32
    %mul3A_0 = arith.muli %arg0, %mul3A : i32
    %add3A = arith.constant 32 : i32
    %add3A_1 = arith.addi %add3A, %mul3A_0 : i32
    %add3A_2 = arith.constant 0 : i32
    %add3A_3 = arith.addi %add3A_1, %add3A_2 : i32
    %get3A = arith.index_cast %add3A_3 : i32 to index
    %get3A_4 = memref.load %arg1[%get3A] : memref<128xf32, #tpu.memory_space<smem>>
    %add3A_5 = arith.constant 64 : i32
    %add3A_6 = arith.addi %add3A_5, %add3A_3 : i32
    %get3A_7 = arith.index_cast %add3A_6 : i32 to index
    %get3A_8 = memref.load %arg1[%get3A_7] : memref<128xf32, #tpu.memory_space<smem>>
    %get3A_9 = arith.constant 0 : index
    %get3A_10 = arith.constant 0 : index
    %get3A_11 = arith.constant 0 : index
    %get3A_12 = arith.constant 0 : index
    %get3A_13 = vector.load %arg2[%get3A_9, %get3A_10, %get3A_11, %get3A_12] : memref<4x3x256x256xf32, #tpu.memory_space<vmem>>, vector<1x3x256x256xf32>
    %get3A_14 = vector.shape_cast %get3A_13 : vector<1x3x256x256xf32> to vector<3x256x256xf32>
    %mul3A_15 = vector.broadcast %get3A_4 : f32 to vector<3x256x256xf32>
    %mul3A_16 = arith.mulf %mul3A_15, %get3A_14 : vector<3x256x256xf32>
    %get3A_17 = arith.constant 0 : index
    %get3A_18 = arith.constant 0 : index
    %get3A_19 = arith.constant 0 : index
    %get3A_20 = arith.constant 0 : index
    %get3A_21 = vector.load %arg3[%get3A_17, %get3A_18, %get3A_19, %get3A_20] : memref<4x3x256x256xf32, #tpu.memory_space<vmem>>, vector<1x3x256x256xf32>
    %get3A_22 = vector.shape_cast %get3A_21 : vector<1x3x256x256xf32> to vector<3x256x256xf32>
    %mul3A_23 = vector.broadcast %get3A_8 : f32 to vector<3x256x256xf32>
    %mul3A_24 = arith.mulf %mul3A_23, %get3A_22 : vector<3x256x256xf32>
    %add3A_25 = arith.addf %mul3A_16, %mul3A_24 : vector<3x256x256xf32>
    %swap3A = arith.constant 0 : index
    %swap3A_26 = arith.constant 0 : index
    %swap3A_27 = arith.constant 0 : index
    %swap3A_28 = arith.constant 0 : index
    %swap3A_29 = vector.load %arg5[%swap3A, %swap3A_26, %swap3A_27, %swap3A_28] : memref<4x3x256x256xf32, #tpu.memory_space<vmem>>, vector<1x3x256x256xf32>
    %swap3A_30 = vector.shape_cast %swap3A_29 : vector<1x3x256x256xf32> to vector<3x256x256xf32>
    %swap3A_31 = vector.shape_cast %add3A_25 : vector<3x256x256xf32> to vector<1x3x256x256xf32>
    tpu.vector_store %arg5[%swap3A, %swap3A_26, %swap3A_27, %swap3A_28], %swap3A_31 {strides = array<i32>} : memref<4x3x256x256xf32, #tpu.memory_space<vmem>>, vector<1x3x256x256xf32>,
    %mul3A_32 = arith.constant 4 : i32
    %mul3A_33 = arith.muli %arg0, %mul3A_32 : i32
    %add3A_34 = arith.constant 32 : i32
    %add3A_35 = arith.addi %add3A_34, %mul3A_33 : i32
    %add3A_36 = arith.constant 1 : i32
    %add3A_37 = arith.addi %add3A_35, %add3A_36 : i32
    %get3A_38 = arith.index_cast %add3A_37 : i32 to index
    %get3A_39 = memref.load %arg1[%get3A_38] : memref<128xf32, #tpu.memory_space<smem>>
    %add3A_40 = arith.constant 64 : i32
    %add3A_41 = arith.addi %add3A_40, %add3A_37 : i32
    %get3A_42 = arith.index_cast %add3A_41 : i32 to index
    %get3A_43 = memref.load %arg1[%get3A_42] : memref<128xf32, #tpu.memory_space<smem>>
    %get3A_44 = arith.constant 1 : index
    %get3A_45 = arith.constant 0 : index
    %get3A_46 = arith.constant 0 : index
    %get3A_47 = arith.constant 0 : index
    %get3A_48 = vector.load %arg2[%get3A_44, %get3A_45, %get3A_46, %get3A_47] : memref<4x3x256x256xf32, #tpu.memory_space<vmem>>, vector<1x3x256x256xf32>
    %get3A_49 = vector.shape_cast %get3A_48 : vector<1x3x256x256xf32> to vector<3x256x256xf32>
    %mul3A_50 = vector.broadcast %get3A_39 : f32 to vector<3x256x256xf32>
    %mul3A_51 = arith.mulf %mul3A_50, %get3A_49 : vector<3x256x256xf32>
    %get3A_52 = arith.constant 1 : index
    %get3A_53 = arith.constant 0 : index
    %get3A_54 = arith.constant 0 : index
    %get3A_55 = arith.constant 0 : index
    %get3A_56 = vector.load %arg3[%get3A_52, %get3A_53, %get3A_54, %get3A_55] : memref<4x3x256x256xf32, #tpu.memory_space<vmem>>, vector<1x3x256x256xf32>
    %get3A_57 = vector.shape_cast %get3A_56 : vector<1x3x256x256xf32> to vector<3x256x256xf32>
    %mul3A_58 = vector.broadcast %get3A_43 : f32 to vector<3x256x256xf32>
    %mul3A_59 = arith.mulf %mul3A_58, %get3A_57 : vector<3x256x256xf32>
    %add3A_60 = arith.addf %mul3A_51, %mul3A_59 : vector<3x256x256xf32>
    %swap3A_61 = arith.constant 1 : index
    %swap3A_62 = arith.constant 0 : index
    %swap3A_63 = arith.constant 0 : index
    %swap3A_64 = arith.constant 0 : index
    %swap3A_65 = vector.load %arg5[%swap3A_61, %swap3A_62, %swap3A_63, %swap3A_64] : memref<4x3x256x256xf32, #tpu.memory_space<vmem>>, vector<1x3x256x256xf32>
    %swap3A_66 = vector.shape_cast %swap3A_65 : vector<1x3x256x256xf32> to vector<3x256x256xf32>
    %swap3A_67 = vector.shape_cast %add3A_60 : vector<3x256x256xf32> to vector<1x3x256x256xf32>
    tpu.vector_store %arg5[%swap3A_61, %swap3A_62, %swap3A_63, %swap3A_64], %swap3A_67 {strides = array<i32>} : memref<4x3x256x256xf32, #tpu.memory_space<vmem>>, vector<1x3x256x256xf32>,
    %mul3A_68 = arith.constant 4 : i32
    %mul3A_69 = arith.muli %arg0, %mul3A_68 : i32
    %add3A_70 = arith.constant 32 : i32
    %add3A_71 = arith.addi %add3A_70, %mul3A_69 : i32
    %add3A_72 = arith.constant 2 : i32
    %add3A_73 = arith.addi %add3A_71, %add3A_72 : i32
    %get3A_74 = arith.index_cast %add3A_73 : i32 to index
    %get3A_75 = memref.load %arg1[%get3A_74] : memref<128xf32, #tpu.memory_space<smem>>
    %add3A_76 = arith.constant 64 : i32
    %add3A_77 = arith.addi %add3A_76, %add3A_73 : i32
    %get3A_78 = arith.index_cast %add3A_77 : i32 to index
    %get3A_79 = memref.load %arg1[%get3A_78] : memref<128xf32, #tpu.memory_space<smem>>
    %get3A_80 = arith.constant 2 : index
    %get3A_81 = arith.constant 0 : index
    %get3A_82 = arith.constant 0 : index
    %get3A_83 = arith.constant 0 : index
    %get3A_84 = vector.load %arg2[%get3A_80, %get3A_81, %get3A_82, %get3A_83] : memref<4x3x256x256xf32, #tpu.memory_space<vmem>>, vector<1x3x256x256xf32>
    %get3A_85 = vector.shape_cast %get3A_84 : vector<1x3x256x256xf32> to vector<3x256x256xf32>
    %mul3A_86 = vector.broadcast %get3A_75 : f32 to vector<3x256x256xf32>
    %mul3A_87 = arith.mulf %mul3A_86, %get3A_85 : vector<3x256x256xf32>
    %get3A_88 = arith.constant 2 : index
    %get3A_89 = arith.constant 0 : index
    %get3A_90 = arith.constant 0 : index
    %get3A_91 = arith.constant 0 : index
    %get3A_92 = vector.load %arg3[%get3A_88, %get3A_89, %get3A_90, %get3A_91] : memref<4x3x256x256xf32, #tpu.memory_space<vmem>>, vector<1x3x256x256xf32>
    %get3A_93 = vector.shape_cast %get3A_92 : vector<1x3x256x256xf32> to vector<3x256x256xf32>
    %mul3A_94 = vector.broadcast %get3A_79 : f32 to vector<3x256x256xf32>
    %mul3A_95 = arith.mulf %mul3A_94, %get3A_93 : vector<3x256x256xf32>
    %add3A_96 = arith.addf %mul3A_87, %mul3A_95 : vector<3x256x256xf32>
    %swap3A_97 = arith.constant 2 : index
    %swap3A_98 = arith.constant 0 : index
    %swap3A_99 = arith.constant 0 : index
    %swap3A_100 = arith.constant 0 : index
    %swap3A_101 = vector.load %arg5[%swap3A_97, %swap3A_98, %swap3A_99, %swap3A_100] : memref<4x3x256x256xf32, #tpu.memory_space<vmem>>, vector<1x3x256x256xf32>
    %swap3A_102 = vector.shape_cast %swap3A_101 : vector<1x3x256x256xf32> to vector<3x256x256xf32>
    %swap3A_103 = vector.shape_cast %add3A_96 : vector<3x256x256xf32> to vector<1x3x256x256xf32>
    tpu.vector_store %arg5[%swap3A_97, %swap3A_98, %swap3A_99, %swap3A_100], %swap3A_103 {strides = array<i32>} : memref<4x3x256x256xf32, #tpu.memory_space<vmem>>, vector<1x3x256x256xf32>,
    %mul3A_104 = arith.constant 4 : i32
    %mul3A_105 = arith.muli %arg0, %mul3A_104 : i32
    %add3A_106 = arith.constant 32 : i32
    %add3A_107 = arith.addi %add3A_106, %mul3A_105 : i32
    %add3A_108 = arith.constant 3 : i32
    %add3A_109 = arith.addi %add3A_107, %add3A_108 : i32
    %get3A_110 = arith.index_cast %add3A_109 : i32 to index
    %get3A_111 = memref.load %arg1[%get3A_110] : memref<128xf32, #tpu.memory_space<smem>>
    %add3A_112 = arith.constant 64 : i32
    %add3A_113 = arith.addi %add3A_112, %add3A_109 : i32
    %get3A_114 = arith.index_cast %add3A_113 : i32 to index
    %get3A_115 = memref.load %arg1[%get3A_114] : memref<128xf32, #tpu.memory_space<smem>>
    %get3A_116 = arith.constant 3 : index
    %get3A_117 = arith.constant 0 : index
    %get3A_118 = arith.constant 0 : index
    %get3A_119 = arith.constant 0 : index
    %get3A_120 = vector.load %arg2[%get3A_116, %get3A_117, %get3A_118, %get3A_119] : memref<4x3x256x256xf32, #tpu.memory_space<vmem>>, vector<1x3x256x256xf32>
    %get3A_121 = vector.shape_cast %get3A_120 : vector<1x3x256x256xf32> to vector<3x256x256xf32>
    %mul3A_122 = vector.broadcast %get3A_111 : f32 to vector<3x256x256xf32>
    %mul3A_123 = arith.mulf %mul3A_122, %get3A_121 : vector<3x256x256xf32>
    %get3A_124 = arith.constant 3 : index
    %get3A_125 = arith.constant 0 : index
    %get3A_126 = arith.constant 0 : index
    %get3A_127 = arith.constant 0 : index
    %get3A_128 = vector.load %arg3[%get3A_124, %get3A_125, %get3A_126, %get3A_127] : memref<4x3x256x256xf32, #tpu.memory_space<vmem>>, vector<1x3x256x256xf32>
    %get3A_129 = vector.shape_cast %get3A_128 : vector<1x3x256x256xf32> to vector<3x256x256xf32>
    %mul3A_130 = vector.broadcast %get3A_115 : f32 to vector<3x256x256xf32>
    %mul3A_131 = arith.mulf %mul3A_130, %get3A_129 : vector<3x256x256xf32>
    %add3A_132 = arith.addf %mul3A_123, %mul3A_131 : vector<3x256x256xf32>
    %swap3A_133 = arith.constant 3 : index
    %swap3A_134 = arith.constant 0 : index
    %swap3A_135 = arith.constant 0 : index
    %swap3A_136 = arith.constant 0 : index
    %swap3A_137 = vector.load %arg5[%swap3A_133, %swap3A_134, %swap3A_135, %swap3A_136] : memref<4x3x256x256xf32, #tpu.memory_space<vmem>>, vector<1x3x256x256xf32>
    %swap3A_138 = vector.shape_cast %swap3A_137 : vector<1x3x256x256xf32> to vector<3x256x256xf32>
    %swap3A_139 = vector.shape_cast %add3A_132 : vector<3x256x256xf32> to vector<1x3x256x256xf32>
    tpu.vector_store %arg5[%swap3A_133, %swap3A_134, %swap3A_135, %swap3A_136], %swap3A_139 {strides = array<i32>} : memref<4x3x256x256xf32, #tpu.memory_space<vmem>>, vector<1x3x256x256xf32>,
    return
  }
  func.func @transform_0(%arg0: i32) -> i32 {
    %c0_i32 = arith.constant 0 : i32
    %c0_i32_0 = arith.constant 0 : i32
    return %c0_i32 : i32
  }
  func.func @transform_1(%arg0: i32) -> (i32, i32, i32, i32) {
    %add3A = arith.constant 8 : i32
    %add3A_0 = arith.addi %arg0, %add3A : i32
    %c0_i32 = arith.constant 0 : i32
    %c0_i32_1 = arith.constant 0 : i32
    %c0_i32_2 = arith.constant 0 : i32
    %c0_i32_3 = arith.constant 0 : i32
    return %add3A_0, %c0_i32, %c0_i32_1, %c0_i32_2 : i32, i32, i32, i32
  }
  func.func @transform_2(%arg0: i32) -> (i32, i32, i32, i32) {
    %add3A = arith.constant 8 : i32
    %add3A_0 = arith.addi %arg0, %add3A : i32
    %c0_i32 = arith.constant 0 : i32
    %c0_i32_1 = arith.constant 0 : i32
    %c0_i32_2 = arith.constant 0 : i32
    %c0_i32_3 = arith.constant 0 : i32
    return %add3A_0, %c0_i32, %c0_i32_1, %c0_i32_2 : i32, i32, i32, i32
  }
  func.func @transform_4(%arg0: i32) -> (i32, i32, i32, i32) {
    %add3A = arith.constant 8 : i32
    %add3A_0 = arith.addi %arg0, %add3A : i32
    %c0_i32 = arith.constant 0 : i32
    %c0_i32_1 = arith.constant 0 : i32
    %c0_i32_2 = arith.constant 0 : i32
    %c0_i32_3 = arith.constant 0 : i32
    return %add3A_0, %c0_i32, %c0_i32_1, %c0_i32_2 : i32, i32, i32, i32
  }
}

module attributes {stable_mosaic.version = 14 : i64} {
  func.func @_tc1_body(%arg0: i32, %arg1: memref<64xi32, #tpu.memory_space<smem>>, %arg2: memref<1000xf32, #tpu.memory_space<smem>>, %arg3: memref<1000xf32, #tpu.memory_space<smem>>, %arg4: memref<4x3x256x256xf32, #tpu.memory_space<vmem>>, %arg5: memref<4x3x256x256xf32, #tpu.memory_space<vmem>>, %arg6: memref<4x3x256x256xf32, #tpu.memory_space<vmem>>) attributes {dimension_semantics = [#tpu.dimension_semantics<arbitrary>], iteration_bounds = array<i64: 8>, scalar_prefetch = 0 : i64, scratch_operands = 0 : i64, tpu.core_type = #tpu.core_type<tc>, window_params = [{transform_indices = @transform_0, window_bounds = array<i64: 64>}, {transform_indices = @transform_1, window_bounds = array<i64: 1000>}, {transform_indices = @transform_2, window_bounds = array<i64: 1000>}, {transform_indices = @transform_3, window_bounds = array<i64: 4, 3, 256, 256>}, {transform_indices = @transform_4, window_bounds = array<i64: 4, 3, 256, 256>}, {transform_indices = @transform_5, window_bounds = array<i64: 4, 3, 256, 256>}]} {
    %mul3A = arith.constant 4 : i32
    %mul3A_0 = arith.muli %arg0, %mul3A : i32
    %add3A = arith.constant 0 : i32
    %add3A_1 = arith.addi %mul3A_0, %add3A : i32
    %get3A = arith.index_cast %add3A_1 : i32 to index
    %get3A_2 = memref.load %arg1[%get3A] : memref<64xi32, #tpu.memory_space<smem>>
    %get3A_3 = arith.index_cast %get3A_2 : i32 to index
    %get3A_4 = memref.load %arg2[%get3A_3] : memref<1000xf32, #tpu.memory_space<smem>>
    %get3A_5 = arith.index_cast %get3A_2 : i32 to index
    %get3A_6 = memref.load %arg3[%get3A_5] : memref<1000xf32, #tpu.memory_space<smem>>
    %get3A_7 = arith.constant 0 : index
    %get3A_8 = arith.constant 0 : index
    %get3A_9 = arith.constant 0 : index
    %get3A_10 = arith.constant 0 : index
    %get3A_11 = vector.load %arg4[%get3A_7, %get3A_8, %get3A_9, %get3A_10] : memref<4x3x256x256xf32, #tpu.memory_space<vmem>>, vector<1x3x256x256xf32>
    %get3A_12 = vector.shape_cast %get3A_11 : vector<1x3x256x256xf32> to vector<3x256x256xf32>
    %mul3A_13 = vector.broadcast %get3A_4 : f32 to vector<3x256x256xf32>
    %mul3A_14 = arith.mulf %mul3A_13, %get3A_12 : vector<3x256x256xf32>
    %get3A_15 = arith.constant 0 : index
    %get3A_16 = arith.constant 0 : index
    %get3A_17 = arith.constant 0 : index
    %get3A_18 = arith.constant 0 : index
    %get3A_19 = vector.load %arg5[%get3A_15, %get3A_16, %get3A_17, %get3A_18] : memref<4x3x256x256xf32, #tpu.memory_space<vmem>>, vector<1x3x256x256xf32>
    %get3A_20 = vector.shape_cast %get3A_19 : vector<1x3x256x256xf32> to vector<3x256x256xf32>
    %mul3A_21 = vector.broadcast %get3A_6 : f32 to vector<3x256x256xf32>
    %mul3A_22 = arith.mulf %mul3A_21, %get3A_20 : vector<3x256x256xf32>
    %add3A_23 = arith.addf %mul3A_14, %mul3A_22 : vector<3x256x256xf32>
    %swap3A = arith.constant 0 : index
    %swap3A_24 = arith.constant 0 : index
    %swap3A_25 = arith.constant 0 : index
    %swap3A_26 = arith.constant 0 : index
    %swap3A_27 = vector.load %arg6[%swap3A, %swap3A_24, %swap3A_25, %swap3A_26] : memref<4x3x256x256xf32, #tpu.memory_space<vmem>>, vector<1x3x256x256xf32>
    %swap3A_28 = vector.shape_cast %swap3A_27 : vector<1x3x256x256xf32> to vector<3x256x256xf32>
    %swap3A_29 = vector.shape_cast %add3A_23 : vector<3x256x256xf32> to vector<1x3x256x256xf32>
    tpu.vector_store %arg6[%swap3A, %swap3A_24, %swap3A_25, %swap3A_26], %swap3A_29 {strides = array<i32>} : memref<4x3x256x256xf32, #tpu.memory_space<vmem>>, vector<1x3x256x256xf32>,
    %mul3A_30 = arith.constant 4 : i32
    %mul3A_31 = arith.muli %arg0, %mul3A_30 : i32
    %add3A_32 = arith.constant 1 : i32
    %add3A_33 = arith.addi %mul3A_31, %add3A_32 : i32
    %get3A_34 = arith.index_cast %add3A_33 : i32 to index
    %get3A_35 = memref.load %arg1[%get3A_34] : memref<64xi32, #tpu.memory_space<smem>>
    %get3A_36 = arith.index_cast %get3A_35 : i32 to index
    %get3A_37 = memref.load %arg2[%get3A_36] : memref<1000xf32, #tpu.memory_space<smem>>
    %get3A_38 = arith.index_cast %get3A_35 : i32 to index
    %get3A_39 = memref.load %arg3[%get3A_38] : memref<1000xf32, #tpu.memory_space<smem>>
    %get3A_40 = arith.constant 1 : index
    %get3A_41 = arith.constant 0 : index
    %get3A_42 = arith.constant 0 : index
    %get3A_43 = arith.constant 0 : index
    %get3A_44 = vector.load %arg4[%get3A_40, %get3A_41, %get3A_42, %get3A_43] : memref<4x3x256x256xf32, #tpu.memory_space<vmem>>, vector<1x3x256x256xf32>
    %get3A_45 = vector.shape_cast %get3A_44 : vector<1x3x256x256xf32> to vector<3x256x256xf32>
    %mul3A_46 = vector.broadcast %get3A_37 : f32 to vector<3x256x256xf32>
    %mul3A_47 = arith.mulf %mul3A_46, %get3A_45 : vector<3x256x256xf32>
    %get3A_48 = arith.constant 1 : index
    %get3A_49 = arith.constant 0 : index
    %get3A_50 = arith.constant 0 : index
    %get3A_51 = arith.constant 0 : index
    %get3A_52 = vector.load %arg5[%get3A_48, %get3A_49, %get3A_50, %get3A_51] : memref<4x3x256x256xf32, #tpu.memory_space<vmem>>, vector<1x3x256x256xf32>
    %get3A_53 = vector.shape_cast %get3A_52 : vector<1x3x256x256xf32> to vector<3x256x256xf32>
    %mul3A_54 = vector.broadcast %get3A_39 : f32 to vector<3x256x256xf32>
    %mul3A_55 = arith.mulf %mul3A_54, %get3A_53 : vector<3x256x256xf32>
    %add3A_56 = arith.addf %mul3A_47, %mul3A_55 : vector<3x256x256xf32>
    %swap3A_57 = arith.constant 1 : index
    %swap3A_58 = arith.constant 0 : index
    %swap3A_59 = arith.constant 0 : index
    %swap3A_60 = arith.constant 0 : index
    %swap3A_61 = vector.load %arg6[%swap3A_57, %swap3A_58, %swap3A_59, %swap3A_60] : memref<4x3x256x256xf32, #tpu.memory_space<vmem>>, vector<1x3x256x256xf32>
    %swap3A_62 = vector.shape_cast %swap3A_61 : vector<1x3x256x256xf32> to vector<3x256x256xf32>
    %swap3A_63 = vector.shape_cast %add3A_56 : vector<3x256x256xf32> to vector<1x3x256x256xf32>
    tpu.vector_store %arg6[%swap3A_57, %swap3A_58, %swap3A_59, %swap3A_60], %swap3A_63 {strides = array<i32>} : memref<4x3x256x256xf32, #tpu.memory_space<vmem>>, vector<1x3x256x256xf32>,
    %mul3A_64 = arith.constant 4 : i32
    %mul3A_65 = arith.muli %arg0, %mul3A_64 : i32
    %add3A_66 = arith.constant 2 : i32
    %add3A_67 = arith.addi %mul3A_65, %add3A_66 : i32
    %get3A_68 = arith.index_cast %add3A_67 : i32 to index
    %get3A_69 = memref.load %arg1[%get3A_68] : memref<64xi32, #tpu.memory_space<smem>>
    %get3A_70 = arith.index_cast %get3A_69 : i32 to index
    %get3A_71 = memref.load %arg2[%get3A_70] : memref<1000xf32, #tpu.memory_space<smem>>
    %get3A_72 = arith.index_cast %get3A_69 : i32 to index
    %get3A_73 = memref.load %arg3[%get3A_72] : memref<1000xf32, #tpu.memory_space<smem>>
    %get3A_74 = arith.constant 2 : index
    %get3A_75 = arith.constant 0 : index
    %get3A_76 = arith.constant 0 : index
    %get3A_77 = arith.constant 0 : index
    %get3A_78 = vector.load %arg4[%get3A_74, %get3A_75, %get3A_76, %get3A_77] : memref<4x3x256x256xf32, #tpu.memory_space<vmem>>, vector<1x3x256x256xf32>
    %get3A_79 = vector.shape_cast %get3A_78 : vector<1x3x256x256xf32> to vector<3x256x256xf32>
    %mul3A_80 = vector.broadcast %get3A_71 : f32 to vector<3x256x256xf32>
    %mul3A_81 = arith.mulf %mul3A_80, %get3A_79 : vector<3x256x256xf32>
    %get3A_82 = arith.constant 2 : index
    %get3A_83 = arith.constant 0 : index
    %get3A_84 = arith.constant 0 : index
    %get3A_85 = arith.constant 0 : index
    %get3A_86 = vector.load %arg5[%get3A_82, %get3A_83, %get3A_84, %get3A_85] : memref<4x3x256x256xf32, #tpu.memory_space<vmem>>, vector<1x3x256x256xf32>
    %get3A_87 = vector.shape_cast %get3A_86 : vector<1x3x256x256xf32> to vector<3x256x256xf32>
    %mul3A_88 = vector.broadcast %get3A_73 : f32 to vector<3x256x256xf32>
    %mul3A_89 = arith.mulf %mul3A_88, %get3A_87 : vector<3x256x256xf32>
    %add3A_90 = arith.addf %mul3A_81, %mul3A_89 : vector<3x256x256xf32>
    %swap3A_91 = arith.constant 2 : index
    %swap3A_92 = arith.constant 0 : index
    %swap3A_93 = arith.constant 0 : index
    %swap3A_94 = arith.constant 0 : index
    %swap3A_95 = vector.load %arg6[%swap3A_91, %swap3A_92, %swap3A_93, %swap3A_94] : memref<4x3x256x256xf32, #tpu.memory_space<vmem>>, vector<1x3x256x256xf32>
    %swap3A_96 = vector.shape_cast %swap3A_95 : vector<1x3x256x256xf32> to vector<3x256x256xf32>
    %swap3A_97 = vector.shape_cast %add3A_90 : vector<3x256x256xf32> to vector<1x3x256x256xf32>
    tpu.vector_store %arg6[%swap3A_91, %swap3A_92, %swap3A_93, %swap3A_94], %swap3A_97 {strides = array<i32>} : memref<4x3x256x256xf32, #tpu.memory_space<vmem>>, vector<1x3x256x256xf32>,
    %mul3A_98 = arith.constant 4 : i32
    %mul3A_99 = arith.muli %arg0, %mul3A_98 : i32
    %add3A_100 = arith.constant 3 : i32
    %add3A_101 = arith.addi %mul3A_99, %add3A_100 : i32
    %get3A_102 = arith.index_cast %add3A_101 : i32 to index
    %get3A_103 = memref.load %arg1[%get3A_102] : memref<64xi32, #tpu.memory_space<smem>>
    %get3A_104 = arith.index_cast %get3A_103 : i32 to index
    %get3A_105 = memref.load %arg2[%get3A_104] : memref<1000xf32, #tpu.memory_space<smem>>
    %get3A_106 = arith.index_cast %get3A_103 : i32 to index
    %get3A_107 = memref.load %arg3[%get3A_106] : memref<1000xf32, #tpu.memory_space<smem>>
    %get3A_108 = arith.constant 3 : index
    %get3A_109 = arith.constant 0 : index
    %get3A_110 = arith.constant 0 : index
    %get3A_111 = arith.constant 0 : index
    %get3A_112 = vector.load %arg4[%get3A_108, %get3A_109, %get3A_110, %get3A_111] : memref<4x3x256x256xf32, #tpu.memory_space<vmem>>, vector<1x3x256x256xf32>
    %get3A_113 = vector.shape_cast %get3A_112 : vector<1x3x256x256xf32> to vector<3x256x256xf32>
    %mul3A_114 = vector.broadcast %get3A_105 : f32 to vector<3x256x256xf32>
    %mul3A_115 = arith.mulf %mul3A_114, %get3A_113 : vector<3x256x256xf32>
    %get3A_116 = arith.constant 3 : index
    %get3A_117 = arith.constant 0 : index
    %get3A_118 = arith.constant 0 : index
    %get3A_119 = arith.constant 0 : index
    %get3A_120 = vector.load %arg5[%get3A_116, %get3A_117, %get3A_118, %get3A_119] : memref<4x3x256x256xf32, #tpu.memory_space<vmem>>, vector<1x3x256x256xf32>
    %get3A_121 = vector.shape_cast %get3A_120 : vector<1x3x256x256xf32> to vector<3x256x256xf32>
    %mul3A_122 = vector.broadcast %get3A_107 : f32 to vector<3x256x256xf32>
    %mul3A_123 = arith.mulf %mul3A_122, %get3A_121 : vector<3x256x256xf32>
    %add3A_124 = arith.addf %mul3A_115, %mul3A_123 : vector<3x256x256xf32>
    %swap3A_125 = arith.constant 3 : index
    %swap3A_126 = arith.constant 0 : index
    %swap3A_127 = arith.constant 0 : index
    %swap3A_128 = arith.constant 0 : index
    %swap3A_129 = vector.load %arg6[%swap3A_125, %swap3A_126, %swap3A_127, %swap3A_128] : memref<4x3x256x256xf32, #tpu.memory_space<vmem>>, vector<1x3x256x256xf32>
    %swap3A_130 = vector.shape_cast %swap3A_129 : vector<1x3x256x256xf32> to vector<3x256x256xf32>
    %swap3A_131 = vector.shape_cast %add3A_124 : vector<3x256x256xf32> to vector<1x3x256x256xf32>
    tpu.vector_store %arg6[%swap3A_125, %swap3A_126, %swap3A_127, %swap3A_128], %swap3A_131 {strides = array<i32>} : memref<4x3x256x256xf32, #tpu.memory_space<vmem>>, vector<1x3x256x256xf32>,
    return
  }
  func.func @transform_0(%arg0: i32) -> i32 {
    %c0_i32 = arith.constant 0 : i32
    %c0_i32_0 = arith.constant 0 : i32
    return %c0_i32 : i32
  }
  func.func @transform_1(%arg0: i32) -> i32 {
    %c0_i32 = arith.constant 0 : i32
    %c0_i32_0 = arith.constant 0 : i32
    return %c0_i32 : i32
  }
  func.func @transform_2(%arg0: i32) -> i32 {
    %c0_i32 = arith.constant 0 : i32
    %c0_i32_0 = arith.constant 0 : i32
    return %c0_i32 : i32
  }
  func.func @transform_3(%arg0: i32) -> (i32, i32, i32, i32) {
    %c0_i32 = arith.constant 0 : i32
    %c0_i32_0 = arith.constant 0 : i32
    %c0_i32_1 = arith.constant 0 : i32
    %c0_i32_2 = arith.constant 0 : i32
    return %arg0, %c0_i32, %c0_i32_0, %c0_i32_1 : i32, i32, i32, i32
  }
  func.func @transform_4(%arg0: i32) -> (i32, i32, i32, i32) {
    %c0_i32 = arith.constant 0 : i32
    %c0_i32_0 = arith.constant 0 : i32
    %c0_i32_1 = arith.constant 0 : i32
    %c0_i32_2 = arith.constant 0 : i32
    return %arg0, %c0_i32, %c0_i32_0, %c0_i32_1 : i32, i32, i32, i32
  }
  func.func @transform_5(%arg0: i32) -> (i32, i32, i32, i32) {
    %c0_i32 = arith.constant 0 : i32
    %c0_i32_0 = arith.constant 0 : i32
    %c0_i32_1 = arith.constant 0 : i32
    %c0_i32_2 = arith.constant 0 : i32
    return %arg0, %c0_i32, %c0_i32_0, %c0_i32_1 : i32, i32, i32, i32
  }
}

</mosaic_0001>

<sc_bundles>
// kernel: kernel.5.cloned.1.call-start
scs
__scs_entry_jumppad:
0x0: {  	(pc) =	sbr.rel $0x88, $3  }
0x1: {  	(tag) =	ssettag $0x0;
	lr =	simm.s32 $0x1  }
0x2: {  	[smem:$0x3F9C] =	sst lr;
	_ =	strace $0xD0000000  }
0x3: {  	_ = 	snop  }
0x4: {  	_ = 	snop  }
0x5: {  	_ = 	snop  }
0x6: {  	_ = 	snop  }
0x7: {  	_ = 	snop  }
__scs_overlays_trampoline_lowered:
0x8: {  	[smem:$0x3FAB] =	sst s0  }
0x9: {  	[smem:$0x3FAC] =	sst s1  }
0xa: {  	[smem:$0x3FAD] =	sst s2  }
0xb: {  	[smem:$0x3FAE] =	sst s3  }
0xc: {  	[smem:$0x3FAF] =	sst s4  }
0xd: {  	[smem:$0x3FB0] =	sst s5  }
0xe: {  	[smem:$0x3FB1] =	sst s6  }
0xf: {  	[smem:$0x3FB2] =	sst s7  }
0x10: {  	[smem:$0x3FB3] =	sst s8  }
0x11: {  	[smem:$0x3FB4] =	sst s9;
	s0 =	simm.s32 @!p0 $0x0  }
0x12: {  	s1 =	sld [smem:$0x3F9A];
	s0 =	simm.s32 @p0 $0x1  }
0x13: {  	[smem:$0x3FB5] =	sst s0;
	s0 =	simm.s32 @!p1 $0x0  }
0x14: {  	s2 =	sld [smem:$0x3F99];
	s0 =	simm.s32 @p1 $0x1  }
0x15: {  	[smem:$0x3FB6] =	sst s0;
	s0 =	simm.s32 @!p2 $0x0  }
0x16: {  	s3 =	sld [smem:$0x3FDB];
	s0 =	simm.s32 @p2 $0x1  }
0x17: {  	s4 =	simm.s32 $0x1BF5;
	[smem:$0x3FB8] =	sst s0  }
0x18: {  	s0 =	sld [smem:$0x3F9B];
	_ =	swait.ge [sflag:s4], $0x0  }
0x19: {  	s7 =	sld [smem:$0x3F9C]  }
0x1a: {  	s8 =	sadd.s32 $0xFFFFE003, lr  }
0x1b: {  	s9 =	sadd.s32 $0xFFFFFEF7, lr;
	s5 =	simm.s32 $0xFFFFFFFF;
	p2 =	slt.u32 s8, $0xFFFFF086  }
0x1c: {  	p1 =	slt.u32 s9, $0xF7A;
	s5 =	simm.s32 @!p2 $0x0  }
0x1d: {  	s5 =	simm.s32 @p1 $0x1;
	p0 =	seq.s32 s7, s2  }
0x1e: {  	s7 =	smul.u32 @!p0 $0xF7A, s2;
	p2 =	seq.s32 @!p0 s5, $0x0  }
0x1f: {  	s9 =	smul.u32 $0xF7A, s1;
	s8 =	simm.s32 @!p0 $0x1BF5;
	p2 =	por !p2, p0  }
0x20: {  	[sflag:s8] =	ssyncset.s32 @!p0 $0xFFFFF086;
	s6 =	sadd.s32 @!p0 s3, s7;
	s7 =	simm.s32 @!p0 $0x108  }
0x21: {  	s3 =	sadd.s32 s3, s9;
	s6 =	sadd.s32 @!p0 $0x88, s6;
	s7 =	simm.s32 @p2 $0x1082  }
0x22: {  	[simem:s7], [sflag:s8] =	dma.local @!p0 [hbm:s6], $0xF7A  }
0x23: {  	s9 =	sor.u32 $0xD0000000, s2;
	s6 =	simm.s32 $0x108;
	_ =	swait.ge @!p0 [sflag:s8], $0x0  }
0x24: {  	s3 =	sadd.s32 $0x88, s3;
	s6 =	simm.s32 @!p1 $0x1082;
	[sflag:s4] =	ssyncset.s32 $0xFFFFF086  }
0x25: {  	[simem:s6], [sflag:s4] =	dma.local [hbm:s3], $0xF7A  }
0x26: {  	[smem:$0x3F9C] =	sst s1;
	(tag) =	ssettag s2;
	_ =	strace s9  }
0x27: {  	s1 =	sld [smem:$0x3FAC]  }
0x28: {  	s2 =	sld [smem:$0x3FAD]  }
0x29: {  	s4 =	sld [smem:$0x3FAF]  }
0x2a: {  	p0 =	seq.s32 s5, $0x0;
	s5 =	sld [smem:$0x3FB0]  }
0x2b: {  	s6 =	sld [smem:$0x3FB1]  }
0x2c: {  	s7 =	sld [smem:$0x3FB2]  }
0x2d: {  	s3 =	simm.s32 $0x108;
	s8 =	sld [smem:$0x3FB3]  }
0x2e: {  	s3 =	simm.s32 @!p0 $0x1082;
	s9 =	sld [smem:$0x3FB4]  }
0x2f: {  	lr =	sadd.s32 s0, s3;
	s0 =	sld [smem:$0x3FAB]  }
0x30: {  	s3 =	sld [smem:$0x3FAE]  }
0x31: {  	[smem:$0x3FB7] =	sst s10  }
0x32: {  	s10 =	sld [smem:$0x3FB5];
	_ =	sdelay $0x3  }
0x33: {  	p0 =	seq.s32 s10, $0x1;
	s10 =	sld [smem:$0x3FB7];
	_ =	sdelay $0x3  }
0x34: {  	[smem:$0x3FB7] =	sst s10  }
0x35: {  	s10 =	sld [smem:$0x3FB6];
	_ =	sdelay $0x3  }
0x36: {  	p1 =	seq.s32 s10, $0x1;
	s10 =	sld [smem:$0x3FB7];
	_ =	sdelay $0x3  }
0x37: {  	[smem:$0x3FB7] =	sst s10  }
0x38: {  	s10 =	sld [smem:$0x3FB8]  }
0x39: {  	_ = 	snop;
	(pc) =	sbr.ind lr, $3  }
0x3a: {  	_ = 	snop  }
0x3b: {  	_ = 	snop  }
0x3c: {  	p2 =	seq.s32 s10, $0x1;
	s10 =	sld [smem:$0x3FB7]  }
0x3d: {  	_ =	shalt  }
0x3e: {  	_ =	shalt  }
0x3f: {  	_ =	shalt  }
0x40: {  	_ =	shalt  }
0x41: {  	_ =	shalt  }
0x42: {  	_ =	shalt  }
0x43: {  	_ =	shalt  }
0x44: {  	_ =	shalt  }
0x45: {  	_ =	shalt  }
0x46: {  	_ =	shalt  }
0x47: {  	_ =	shalt  }
0x48: {  	_ =	shalt  }
0x49: {  	_ =	shalt  }
0x4a: {  	_ =	shalt  }
0x4b: {  	_ =	shalt  }
0x4c: {  	_ =	shalt  }
0x4d: {  	_ =	shalt  }
0x4e: {  	_ =	shalt  }
0x4f: {  	_ =	shalt  }
0x50: {  	_ =	shalt  }
0x51: {  	_ =	shalt  }
0x52: {  	_ =	shalt  }
0x53: {  	_ =	shalt  }
0x54: {  	_ =	shalt  }
0x55: {  	_ =	shalt  }
0x56: {  	_ =	shalt  }
0x57: {  	_ =	shalt  }
0x58: {  	_ =	shalt  }
0x59: {  	_ =	shalt  }
0x5a: {  	_ =	shalt  }
0x5b: {  	_ =	shalt  }
0x5c: {  	_ =	shalt  }
0x5d: {  	_ =	shalt  }
0x5e: {  	_ =	shalt  }
0x5f: {  	_ =	shalt  }
0x60: {  	_ =	shalt  }
0x61: {  	_ =	shalt  }
0x62: {  	_ =	shalt  }
0x63: {  	_ =	shalt  }
0x64: {  	_ =	shalt  }
0x65: {  	_ =	shalt  }
0x66: {  	_ =	shalt  }
0x67: {  	_ =	shalt  }
0x68: {  	_ =	shalt  }
0x69: {  	_ =	shalt  }
0x6a: {  	_ =	shalt  }
0x6b: {  	_ =	shalt  }
0x6c: {  	_ =	shalt  }
0x6d: {  	_ =	shalt  }
0x6e: {  	_ =	shalt  }
0x6f: {  	_ =	shalt  }
0x70: {  	_ =	shalt  }
0x71: {  	_ =	shalt  }
0x72: {  	_ =	shalt  }
0x73: {  	_ =	shalt  }
0x74: {  	_ =	shalt  }
0x75: {  	_ =	shalt  }
0x76: {  	_ =	shalt  }
0x77: {  	_ =	shalt  }
0x78: {  	_ =	shalt  }
0x79: {  	_ =	shalt  }
0x7a: {  	_ =	shalt  }
0x7b: {  	_ =	shalt  }
0x7c: {  	_ =	shalt  }
0x7d: {  	_ =	shalt  }
0x7e: {  	_ =	shalt  }
0x7f: {  	_ =	shalt  }
0x80: {  	_ =	shalt  }
0x81: {  	_ =	shalt  }
0x82: {  	_ =	shalt  }
0x83: {  	_ =	shalt  }
0x84: {  	_ =	shalt  }
0x85: {  	_ =	shalt  }
0x86: {  	_ =	shalt  }
0x87: {  	_ =	shalt  }
.Lfunc_end0:
.L_simem_size_0:
called_computation_lowered:
.L_overlay_start_0:
0x88: {  	s2 =	sld [smem:$0x3FD9]  }
0x89: {  	s3 =	sld [smem:$0x3FFE];
	_ =	sdelay $0x1  }
0x8a: {  	s1 =	srdreg.scid  }
0x8b: {  	s0 =	sand.u32 $0x1, s1  }
0x8c: {  	s17 =	sshll.u32 s0, $0xA;
	s2 =	sadd.s32 s3, s2  }
0x8d: {  	s2 =	sadd.s32 s2, s17  }
0x8e: {  	[smem:$0x3FC3] =	sst s2  }
0x8f: {  	_ = 	snop  }
0x90: {  	s2 =	sld [smem:$0x3FC7];
	(tm) =	ssettm $0x1  }
0x91: {  	s18 =	sld [smem:$0x3FFB];
	_ =	sdelay $0x3  }
0x92: {  	_ =	strace s18  }
0x93: {  	s3 =	sld [smem:$0x3FFC];
	_ =	sdelay $0x3  }
0x94: {  	_ =	strace s3  }
0x95: {  	s3 =	sld [smem:$0x3FFD];
	_ =	sdelay $0x3  }
0x96: {  	_ =	strace s3  }
0x97: {  	_ =	strace $0x8FFFFFFF  }
0x98: {  	s19 =	sld [smem:$0x3FDB];
	_ =	sdelay $0x1  }
0x99: {  	s4 =	simm.s32 $_scs_section_size  }
0x9a: {  	s5 =	simm.s32 $_size__tile_overlayer_lowered;
	s6 =	simm.s32 $_tile_overlayer_lowered  }
0x9b: {  	s22 =	simm.s32 $0x1BFF;
	s21 =	sshll.u32 s6, $0x1;
	s3 =	sadd.s32 s4, s19  }
0x9c: {  	s7 =	simm.s32 $0x0;
	s20 =	sshll.u32 s5, $0x1;
	s5 =	sadd.s32 s21, s3  }
0x9d: {  	[timem:s7], [sflag:s22] =	dma.local [hbm:s5], s20  }
0x9e: {  	_ =	swait.ge [sflag:s22], s20  }
0x9f: {  	s4 =	ssub.s32 $0x0, s20;
	[sflag:s22] =	ssyncset.done $0x0  }
0xa0: {  	[sflag:s22] =	ssyncadd.s32 s4;
	_ =	sdelay $0x1  }
0xa1: {  	s23 =	simm.s32 $0x1B8B  }
0xa2: {  	_ =	swait.ge [sflag:s23], $0x1  }
0xa3: {  	[sflag:s23] =	ssyncset.done $0x0  }
0xa4: {  	s25 =	simm.s32 $0x1B8E;
	s24 =	sld [smem:$0x3FFE];
	[sflag:s23] =	ssyncadd.s32 $0xFFFFFFFF  }
0xa5: {  	s26 =	simm.s32 $execute0_lowered;
	[smem:$0x3FD2] =	sst s25  }
0xa6: {  	s5 =	sshll.u32 s26, $0x1;
	_ =	strace $0x80000046;
	[dreg:$0x1] =	wrdreg $0xFFFFFFFF  }
0xa7: {  	s28 =	simm.s32 $_size_execute0_lowered;
	s3 =	sadd.s32 s3, s5;
	[dreg:$0x0] =	wrdreg $0x0  }
0xa8: {  	s5 =	sshll.u32 s28, $0x1;
	[dreg:$0x2] =	wrdreg s3  }
0xa9: {  	[dreg:$0x3] =	wrdreg s5  }
0xaa: {  	[dreg:$0x4] =	wrdreg $0xC0  }
0xab: {  	_ =	task [dreg:s7], $0x5FFFF  }
0xac: {  	[dreg:$0x1] =	wrdreg $0xFFFFFFFF  }
0xad: {  	[dreg:$0x0] =	wrdreg $0x60  }
0xae: {  	[dreg:$0x2] =	wrdreg s2  }
0xaf: {  	[dreg:$0x3] =	wrdreg s24  }
0xb0: {  	[dreg:$0x4] =	wrdreg $0x9  }
0xb1: {  	_ =	task.clear_ibuf [dreg:s7], $0x5FFFF;
	_ =	strace $0x90000046  }
0xb2: {  	s29 =	simm.s32 $0x9;
	_ =	strace $0x80000048  }
0xb3: {  	_ =	swait.ge [sflag:s29], $0x1  }
0xb4: {  	[sflag:s29] =	ssyncadd.s32 $0xFFFFFFFF  }
0xb5: {  	_ =	strace $0x90000048  }
0xb6: {  	_ =	sfence  }
0xb7: {  	s30 =	sld [smem:$0x0];
	_ =	sdelay $0x2  }
0xb8: {  	s31 =	sshll.u32 s1, $0xD;
	s1 =	sshrl.u32 s1, $0x2  }
0xb9: {  	s3 =	sand.u32 $0x4000, s31;
	s1 =	sadd.s32 s1, s30  }
0xba: {  	s0 =	sor.u32 s3, s0;
	s1 =	sshll.u32 s1, $0x11  }
0xbb: {  	s0 =	sor.u32 s1, s0  }
0xbc: {  	s0 =	sadd.s32 $0x8F2B, s0  }
0xbd: {  	[sflag:s0] =	ssyncadd.remote.s32 $0x1  }
0xbe: {  	_ =	sfence.sel $0xFFFF  }
0xbf: {  	[dreg:$0x0] =	wrdreg $0xFFFFFFFF;
	(pc) =	sbr.abs _section_cstart, $3  }
0xc0: {  	[dreg:$0x1] =	wrdreg $0xFFFFFFFF  }
0xc1: {  	_ =	task.clear_ibuf [dreg:s7], $0x2FFFF;
	_ =	strace $0x9FFFFFFF  }
0xc2: {  	(tm) =	ssettm $0x7FFFFFFF  }
0xc3: {  	_ =	shalt  }
tec
execute0_lowered:
.L_overlay_start_1:
0x0: {  	(tag) =	ssettag $0x1  }
0x1: {  	s0 =	srdreg.scid  }
0x2: {  	s8 =	sand.u32 $0x1, s0;
	s0 =	stileid.u32  }
0x3: {  	s3 =	sor.u32 s0, s8  }
0x4: {  	p0 =	sne.s32 s3, $0x0  }
.Ltmp0:
0x5: {  	_ = 	snop;
	(pc) =	sbr.rel @p0 .LBB2_4-.Ltmp0, $4  }
0x6: {  	_ = 	snop  }
0x7: {  	s2 =	rddreg [dreg:$0x0]  }
0x8: {  	s9 =	rddreg [dreg:$0x1]  }
0x9: {  	s1 =	rddreg [dreg:$0x2];
	_ =	strace $0x80000047  }
0xa: {  	s3 =	simm.s32 $0x0  }
0xb: {  	[tilespmem:s3], [sflag:$0x1] =	stream.linear.gather [hbm4b:s2+s3], $0x80, $0x38;
	[tilespmem:$0x900] =	vst v63  }
0xc: {  	s4 =	sadd.s32 $0xC00, s9;
	s5 =	simm.s32 $0x80;
	s6 =	simm.s32 $0x1  }
0xd: {  	[tilespmem:s5], [sflag:$0x2] =	stream.linear.gather [hbm4b:s4+s3], $0x800, $0x38;
	[tilespmem:$0x900] =	vst v63  }
0xe: {  	_ =	swait.ge [sflag:s6], $0x80  }
0xf: {  	[sflag:s6] =	ssyncset.done $0x0  }
0x10: {  	s7 =	simm.s32 $0x2;
	[sflag:s6] =	ssyncadd.s32 $0xFFFFFF80  }
0x11: {  	_ =	swait.ge [sflag:s7], $0x800  }
0x12: {  	[sflag:s7] =	ssyncset.done $0x0  }
0x13: {  	[sflag:s7] =	ssyncadd.s32 $0xFFFFF800  }
0x14: {  	v0 =	vld [tilespmem:$0x0];
	_ =	sdelay $0x7  }
0x15: {  	v1 =	vld.idx.msk [tilespmem:v0+s5+$0x0], $0xffff  }
0x16: {  	v0 =	vadd.s32 $0x3E8, v0;
	_ =	sdelay $0x2  }
0x17: {  	v2 =	vld [tilespmem:$0x10]  }
0x18: {  	[tilespmem:$0x880] =	vst v1  }
0x19: {  	v0 =	vld.idx.msk [tilespmem:v0+s5+$0x0], $0xffff;
	_ =	sdelay $0x4  }
0x1a: {  	[tilespmem:$0x8C0] =	vst v0  }
0x1b: {  	v0 =	vld.idx.msk [tilespmem:v2+s5+$0x0], $0xffff  }
0x1c: {  	v59 =	vadd.s32 $0x3E8, v2;
	_ =	sdelay $0x2  }
0x1d: {  	v60 =	vld [tilespmem:$0x20]  }
0x1e: {  	[tilespmem:$0x890] =	vst v0  }
0x1f: {  	v0 =	vld.idx.msk [tilespmem:v59+s5+$0x0], $0xffff;
	_ =	sdelay $0x4  }
0x20: {  	[tilespmem:$0x8D0] =	vst v0  }
0x21: {  	v0 =	vld.idx.msk [tilespmem:v60+s5+$0x0], $0xffff  }
0x22: {  	v61 =	vadd.s32 $0x3E8, v60;
	_ =	sdelay $0x2  }
0x23: {  	v62 =	vld [tilespmem:$0x30]  }
0x24: {  	[tilespmem:$0x8A0] =	vst v0  }
0x25: {  	v0 =	vld.idx.msk [tilespmem:v61+s5+$0x0], $0xffff;
	_ =	sdelay $0x4  }
0x26: {  	[tilespmem:$0x8E0] =	vst v0  }
0x27: {  	v0 =	vld.idx.msk [tilespmem:v62+s5+$0x0], $0xffff  }
0x28: {  	v63 =	vadd.s32 $0x3E8, v62;
	_ =	sdelay $0x3  }
0x29: {  	[tilespmem:$0x8B0] =	vst v0  }
0x2a: {  	s10 =	ssub.s32 $0x2, s8;
	v0 =	vld.idx.msk [tilespmem:v63+s5+$0x0], $0xffff  }
0x2b: {  	s31 =	sshrl.u32 s10, $0x1  }
0x2c: {  	s11 =	ssub.s32 s10, s31  }
0x2d: {  	p0 =	sne.s32 s11, $0x1  }
.Ltmp1:
0x2e: {  	_ = 	snop;
	(pc) =	sbr.rel @!p0 .LBB2_3-.Ltmp1, $4  }
0x2f: {  	s8 =	sadd.s32 $0xE00, s9;
	s9 =	simm.s32 $0x3;
	s10 =	simm.s32 $0x880;
	[tilespmem:$0x8F0] =	vst v0  }
0x30: {  	[hbm4b:s8+s3] =	stream.linear.scatter [tilespmem:s10], [sflag:$0x3], $0x80, $0x38;
	[tilespmem:$0x900] =	vst v63  }
0x31: {  	_ =	swait.ge [sflag:s9], $0x80  }
0x32: {  	s11 =	sadd.s32 $0xFFFFFFFF, s11;
	[sflag:s9] =	ssyncset.done $0x0  }
.LBB2_2:
0x33: {  	p0 =	sne.s32 s11, $0x1;
	s11 =	sadd.s32 $0xFFFFFFFF, s11;
	[sflag:s9] =	ssyncadd.s32 $0xFFFFFF80  }
0x34: {  	[tilespmem:s3], [sflag:$0x1] =	stream.linear.gather [hbm4b:s2+s3], $0x80, $0x38;
	[tilespmem:$0x900] =	vst v63  }
0x35: {  	_ = 	snop  }
0x36: {  	[tilespmem:s5], [sflag:$0x2] =	stream.linear.gather [hbm4b:s4+s3], $0x800, $0x38;
	[tilespmem:$0x900] =	vst v63  }
0x37: {  	_ =	swait.ge [sflag:s6], $0x80  }
0x38: {  	[sflag:s6] =	ssyncset.done $0x0  }
0x39: {  	[sflag:s6] =	ssyncadd.s32 $0xFFFFFF80  }
0x3a: {  	_ =	swait.ge [sflag:s7], $0x800  }
0x3b: {  	[sflag:s7] =	ssyncset.done $0x0  }
0x3c: {  	[sflag:s7] =	ssyncadd.s32 $0xFFFFF800  }
0x3d: {  	v0 =	vld [tilespmem:$0x0];
	_ =	sdelay $0x7  }
0x3e: {  	v1 =	vld.idx.msk [tilespmem:v0+s5+$0x0], $0xffff;
	_ =	sdelay $0x1  }
0x3f: {  	v0 =	vadd.s32 $0x3E8, v0;
	_ =	sdelay $0x3  }
0x40: {  	[tilespmem:$0x880] =	vst v1;
	v1 =	vld [tilespmem:$0x10]  }
0x41: {  	v0 =	vld.idx.msk [tilespmem:v0+s5+$0x0], $0xffff;
	_ =	sdelay $0x5  }
0x42: {  	[tilespmem:$0x8C0] =	vst v0  }
0x43: {  	v0 =	vld.idx.msk [tilespmem:v1+s5+$0x0], $0xffff;
	_ =	sdelay $0x1  }
0x44: {  	v1 =	vadd.s32 $0x3E8, v1;
	_ =	sdelay $0x3  }
0x45: {  	[tilespmem:$0x890] =	vst v0;
	v0 =	vld [tilespmem:$0x20]  }
0x46: {  	v1 =	vld.idx.msk [tilespmem:v1+s5+$0x0], $0xffff;
	_ =	sdelay $0x5  }
0x47: {  	[tilespmem:$0x8D0] =	vst v1  }
0x48: {  	v1 =	vld.idx.msk [tilespmem:v0+s5+$0x0], $0xffff;
	_ =	sdelay $0x1  }
0x49: {  	v0 =	vadd.s32 $0x3E8, v0;
	_ =	sdelay $0x3  }
0x4a: {  	[tilespmem:$0x8A0] =	vst v1;
	v1 =	vld [tilespmem:$0x30]  }
0x4b: {  	v0 =	vld.idx.msk [tilespmem:v0+s5+$0x0], $0xffff;
	_ =	sdelay $0x5  }
0x4c: {  	[tilespmem:$0x8E0] =	vst v0  }
0x4d: {  	v0 =	vld.idx.msk [tilespmem:v1+s5+$0x0], $0xffff;
	_ =	sdelay $0x1  }
0x4e: {  	v1 =	vadd.s32 $0x3E8, v1;
	_ =	sdelay $0x3  }
0x4f: {  	[tilespmem:$0x8B0] =	vst v0  }
0x50: {  	v0 =	vld.idx.msk [tilespmem:v1+s5+$0x0], $0xffff;
	_ =	sdelay $0x4  }
.Ltmp2:
0x51: {  	(pc) =	sbr.rel @p0 .LBB2_2-.Ltmp2, $4  }
0x52: {  	[tilespmem:$0x8F0] =	vst v0  }
0x53: {  	[hbm4b:s8+s3] =	stream.linear.scatter [tilespmem:s10], [sflag:$0x3], $0x80, $0x38;
	[tilespmem:$0x900] =	vst v63  }
0x54: {  	_ =	swait.ge [sflag:s9], $0x80  }
0x55: {  	[sflag:s9] =	ssyncset.done $0x0  }
.LBB2_3:
0x56: {  	[sflag:s9] =	ssyncadd.s32 $0xFFFFFF80  }
.LBB2_4:
0x57: {  	_ =	sfence.sel $0x180000  }
0x58: {  	[bflag:$0x0] =	sbarrier.arrive $0xFFFF  }
0x59: {  	p0 =	sne.s32 s0, $0x0;
	_ =	strace $0x90000047  }
0x5a: {  	s0 =	sadd.s32 @!p0 $0x100000, s1;
	[bflag:$0x2] =	sbarrier.arrive $0xFFFF  }
0x5b: {  	[sflag:s0] =	ssyncadd.tile.s32 @!p0 $0x1;
	_ =	shalt  }
.Lfunc_end2:
_tile_overlayer_lowered:
.L_overlay_start_2:
0x5c: {  	(tag) =	ssettag $0x2  }
0x5d: {  	s0 =	rddreg [dreg:$0x0];
	s2 =	stileid.u32  }
0x5e: {  	s1 =	rddreg [dreg:$0x1];
	p0 =	sne.s32 s2, $0x0  }
0x5f: {  	s3 =	rddreg [dreg:$0x2];
	[bflag:$0x3] =	sbarrier.arrive $0xFFFF;
	s2 =	simm.s32 @!p0 $0x1C03  }
0x60: {  	[timem:s3], [sflag:s2] =	dma.local @!p0 [hbm:s0], s1  }
0x61: {  	s0 =	simm.s32 @!p0 $0x3  }
0x62: {  	_ =	swait.ge @!p0 [sflag:s0], s1  }
0x63: {  	s1 =	ssub.s32 @!p0 $0x0, s1;
	[sflag:s0] =	ssyncset.done @!p0 $0x0  }
0x64: {  	[sflag:s0] =	ssyncadd.s32 @!p0 s1  }
0x65: {  	[bflag:$0x3] =	sbarrier.arrive $0xFFFF  }
0x66: {  	_ =	shalt  }

</sc_bundles>
